<compile_context>
chip_gen: v7x
topology: tpu7x:2x2x1
jax: 0.10.2.dev20260603
libtpu: 0.0.44.dev20260713+nightly
codegen_flags: <defaults>
</compile_context>

<pallas_src>
import functools

import jax
import jax.numpy as jnp
from jax import lax
from jax.experimental import pallas as pl
from jax.experimental.pallas import tpu as pltpu
from jax.experimental.pallas import tpu_sc as plsc

E = 16384
L = 50
D = 64
NC = 2
NS = 16
NW = NC * NS
EPW = E // NW
LANE = 16
NG = EPW // LANE
NB = 4


def _sc_body(tok_hbm, c1_hbm, c2_hbm, c3_hbm,
             tok_v, c1_v, c2_v, c3_v, osem):
    wid = lax.axis_index("s") * NC + lax.axis_index("c")
    base_e = wid * EPW
    pltpu.sync_copy(tok_hbm.at[:, pl.ds(base_e, EPW)], tok_v)

    @plsc.parallel_loop(0, NG // NB)
    def block_body(bi):
        base = bi * (NB * LANE)
        zero = jnp.zeros((LANE,), jnp.int32)

        def l_body(l, acc):
            sb0, sb1, c3 = acc
            nsb0, nsb1, nc3 = [], [], []
            for k in range(NB):
                t = tok_v[l, pl.ds(base + k * LANE, LANE)]
                b0 = t & 1
                b1 = t >> 1
                nsb0.append(sb0[k] + b0)
                nsb1.append(sb1[k] + b1)
                nc3.append(c3[k] + (b0 & b1))
            return tuple(nsb0), tuple(nsb1), tuple(nc3)

        sb0, sb1, c3 = lax.fori_loop(
            0, L, l_body, ((zero,) * NB, (zero,) * NB, (zero,) * NB))
        for k in range(NB):
            gs = base + k * LANE
            c1_v[pl.ds(gs, LANE)] = (sb0[k] - c3[k]).astype(jnp.float32)
            c2_v[pl.ds(gs, LANE)] = (sb1[k] - c3[k]).astype(jnp.float32)
            c3_v[pl.ds(gs, LANE)] = c3[k].astype(jnp.float32)

    o1 = pltpu.async_copy(c1_v, c1_hbm.at[pl.ds(base_e, EPW)], osem)
    o2 = pltpu.async_copy(c2_v, c2_hbm.at[pl.ds(base_e, EPW)], osem)
    o3 = pltpu.async_copy(c3_v, c3_hbm.at[pl.ds(base_e, EPW)], osem)
    o1.wait()
    o2.wait()
    o3.wait()


_sc_counts = functools.partial(
    pl.kernel,
    out_type=[jax.ShapeDtypeStruct((E,), jnp.float32)] * 3,
    mesh=plsc.VectorSubcoreMesh(
        core_axis_name="c", subcore_axis_name="s",
        num_cores=NC, num_subcores=NS),
    compiler_params=pltpu.CompilerParams(needs_layout_passes=False),
    scratch_types=[
        pltpu.VMEM((L, EPW), jnp.int32),
        pltpu.VMEM((EPW,), jnp.float32),
        pltpu.VMEM((EPW,), jnp.float32),
        pltpu.VMEM((EPW,), jnp.float32),
        pltpu.SemaphoreType.DMA,
    ],
)(_sc_body)


BE = 8192


def _tc_body(c1_ref, c2_ref, c3_ref, emb_ref, outt_ref):
    embt = emb_ref[...].T
    pb = embt[:, 0:1]
    inv_l = 1.0 / L
    d1 = (embt[:, 1:2] - pb) * inv_l
    d2 = (embt[:, 2:3] - pb) * inv_l
    d3 = (embt[:, 3:4] - pb) * inv_l
    c1 = c1_ref[...][None, :]
    c2 = c2_ref[...][None, :]
    c3 = c3_ref[...][None, :]
    outt_ref[...] = pb + d1 * c1 + d2 * c2 + d3 * c3


def _tc_expand(c1, c2, c3, emb_table):
    return pl.pallas_call(
        _tc_body,
        grid=(E // BE,),
        in_specs=[
            pl.BlockSpec((BE,), lambda i: (i,)),
            pl.BlockSpec((BE,), lambda i: (i,)),
            pl.BlockSpec((BE,), lambda i: (i,)),
            pl.BlockSpec((4, D), lambda i: (0, 0)),
        ],
        out_specs=pl.BlockSpec((D, BE), lambda i: (0, i)),
        out_shape=jax.ShapeDtypeStruct((D, E), jnp.float32),
    )(c1, c2, c3, emb_table)


def kernel(overlap_similarity, overlap_length, reads_tokens, emb_table, W, b):
    c1, c2, c3 = _sc_counts(reads_tokens.T)
    return _tc_expand(c1, c2, c3, emb_table).T

# --- scband reference (transcript-rebuilt; emitter-appended) ---
"""Pipeline reference for scband-edge-encoder-overlap-10411000725575 (READ-ONLY COPY).

The authoritative reference and input builder live on the scoring server;
editing this copy changes nothing except your own understanding.
"""

import jax, jax.numpy as jnp
import numpy as np

E = 16384   # number of edges
L = 50      # tokens per edge suffix (read[prefix:])
D = 64      # out_channels = embedding dim
VOCAB = 4   # DNA alphabet A,C,G,T -> 0,1,2,3
IN = 2      # in_channels (overlap length + similarity)


def setup_inputs(seed: int = 0) -> dict:
    key = jax.random.key(seed)
    k1, k2, k3, k4, k5 = jax.random.split(key, 5)
    overlap_similarity = jax.random.uniform(k1, (E,), dtype=jnp.float32)
    overlap_length = jax.random.uniform(k2, (E,), dtype=jnp.float32) * 1000.0
    # Pre-tokenized per-edge read suffixes: in the original, each edge's source
    # read string is sliced at prefix_length and mapped A/C/G/T -> 0/1/2/3.
    reads_tokens = jax.random.randint(k3, (E, L), 0, VOCAB, dtype=jnp.int32)
    # Learned parameters sized per init_kwargs
    emb_table = jax.random.normal(k4, (VOCAB, D), dtype=jnp.float32)  # nn.Embedding(4, out_channels)
    W = jax.random.normal(k5, (D, IN), dtype=jnp.float32) * 0.1       # nn.Linear(in_channels, out_channels)
    b = jnp.zeros((D,), dtype=jnp.float32)
    return {
        'overlap_similarity': overlap_similarity,
        'overlap_length': overlap_length,
        'reads_tokens': reads_tokens,
        'emb_table': emb_table,
        'W': W,
        'b': b,
    }


def reference(overlap_similarity, overlap_length, reads_tokens, emb_table, W, b):
    # Faithful tensorized version of the per-edge loop:
    #   read = self.embedding(tokenized_suffix); read = torch.mean(read, dim=0)
    # stacked over all edges.
    overlap_length = overlap_length[:, None]                # unsqueeze(-1), as in original
    emb = jnp.take(emb_table, reads_tokens, axis=0)          # [E, L, D] embedding gather
    edge_sequences = jnp.mean(emb, axis=1)                   # per-edge mean pooling -> [E, D]
    return edge_sequences


if False:  # reference __main__ guard neutralized (emitter)
    out = reference(**setup_inputs())
    print(out.shape, out.dtype)

if __name__ == "__main__":
    import jax
    _d = setup_inputs()
    print(jax.jit(kernel)(*tuple(_d.values())))

</pallas_src>

<mosaic_0001>
#map = affine_map<(d0, d1) -> (0, 0)>
#map1 = affine_map<(d0, d1) -> (0)>
module attributes {stable_mosaic.version = 14 : i64} {
  func.func @_sc_body(%arg0: i32, %arg1: i32, %arg2: memref<50x16384xi32, #tpu.memory_space<hbm>>, %arg3: memref<16384xf32, #tpu.memory_space<hbm>>, %arg4: memref<16384xf32, #tpu.memory_space<hbm>>, %arg5: memref<16384xf32, #tpu.memory_space<hbm>>, %arg6: memref<50x512xi32, #tpu.memory_space<vmem>>, %arg7: memref<512xf32, #tpu.memory_space<vmem>>, %arg8: memref<512xf32, #tpu.memory_space<vmem>>, %arg9: memref<512xf32, #tpu.memory_space<vmem>>, %arg10: memref<!tpu.dma_semaphore, #tpu.memory_space<semaphore_mem>>) attributes {dimension_semantics = [#tpu.dimension_semantics<core_parallel>, #tpu.dimension_semantics<subcore_parallel>], iteration_bounds = array<i64: 2, 16>, scalar_prefetch = 0 : i64, scratch_operands = 5 : i64, tpu.core_type = #tpu.core_type<sc_vector_subcore>, window_params = [{transform_indices = #map}, {transform_indices = #map1}, {transform_indices = #map1}, {transform_indices = #map1}]} {
    %mul3A = arith.constant 2 : i32
    %mul3A_0 = arith.muli %arg1, %mul3A : i32
    %add3A = arith.addi %mul3A_0, %arg0 : i32
    %mul3A_1 = arith.constant 512 : i32
    %mul3A_2 = arith.muli %add3A, %mul3A_1 : i32
    "tpu.region"() ({
      %run_scoped3A = tpu.sem_alloc : memref<!tpu.dma_semaphore, #tpu.memory_space<semaphore_mem>>
      %dma_start3A_15 = arith.constant 0 : i32
      %dma_start3A_16 = tpu.memref_slice %arg2[%dma_start3A_15, %mul3A_2] : memref<50x16384xi32, #tpu.memory_space<hbm>> -> memref<50x512xi32, #tpu.memory_space<hbm>>
      %dma_start3A_17 = arith.constant 0 : i32
      %dma_start3A_18 = tpu.memref_slice %arg2[%dma_start3A_17, %mul3A_2] : memref<50x16384xi32, #tpu.memory_space<hbm>> -> memref<50x512xi32, #tpu.memory_space<hbm>>
      tpu.enqueue_dma source(%dma_start3A_18 : memref<50x512xi32, #tpu.memory_space<hbm>>) target(%arg6 : memref<50x512xi32, #tpu.memory_space<vmem>>) target_semaphore(%run_scoped3A : memref<!tpu.dma_semaphore, #tpu.memory_space<semaphore_mem>>)
      %dma_wait3A_19 = arith.constant 0 : i32
      %dma_wait3A_20 = tpu.memref_slice %arg2[%dma_wait3A_19, %mul3A_2] : memref<50x16384xi32, #tpu.memory_space<hbm>> -> memref<50x512xi32, #tpu.memory_space<hbm>>
      %dma_wait3A_21 = arith.constant 0 : i32
      %dma_wait3A_22 = tpu.memref_slice %arg2[%dma_wait3A_21, %mul3A_2] : memref<50x16384xi32, #tpu.memory_space<hbm>> -> memref<50x512xi32, #tpu.memory_space<hbm>>
      tpu.wait_dma2 semaphore(%run_scoped3A : memref<!tpu.dma_semaphore, #tpu.memory_space<semaphore_mem>>) src(%dma_wait3A_22 : memref<50x512xi32, #tpu.memory_space<hbm>>) dst(%arg6 : memref<50x512xi32, #tpu.memory_space<vmem>>)
      tpu.yield
    }) : () -> ()
    %parallel_loop3A = arith.constant 0 : i32
    %parallel_loop3A_3 = arith.constant 8 : i32
    %parallel_loop3A_4 = arith.constant 1 : i32
    scf.for %parallel_loop3A_15 = %parallel_loop3A to %parallel_loop3A_3 step %parallel_loop3A_4  : i32 {
      %parallel_loop3A_16 = arith.constant 64 : i32
      %parallel_loop3A_17 = arith.muli %parallel_loop3A_15, %parallel_loop3A_16 : i32
      %parallel_loop3A_18 = arith.constant 0 : i32
      %parallel_loop3A_19 = vector.broadcast %parallel_loop3A_18 : i32 to vector<16xi32>
      %parallel_loop3A_20 = arith.constant 0 : i32
      %parallel_loop3A_21 = arith.constant 50 : i32
      %parallel_loop3A_22 = arith.addi %parallel_loop3A_20, %parallel_loop3A_21 : i32
      %parallel_loop3A_23 = arith.constant 1 : i32
      %parallel_loop3A_24:12 = scf.for %scan3A = %parallel_loop3A_20 to %parallel_loop3A_22 step %parallel_loop3A_23 iter_args(%scan3A_78 = %parallel_loop3A_19, %scan3A_79 = %parallel_loop3A_19, %scan3A_80 = %parallel_loop3A_19, %scan3A_81 = %parallel_loop3A_19, %scan3A_82 = %parallel_loop3A_19, %scan3A_83 = %parallel_loop3A_19, %scan3A_84 = %parallel_loop3A_19, %scan3A_85 = %parallel_loop3A_19, %scan3A_86 = %parallel_loop3A_19, %scan3A_87 = %parallel_loop3A_19, %scan3A_88 = %parallel_loop3A_19, %scan3A_89 = %parallel_loop3A_19) -> (vector<16xi32>, vector<16xi32>, vector<16xi32>, vector<16xi32>, vector<16xi32>, vector<16xi32>, vector<16xi32>, vector<16xi32>, vector<16xi32>, vector<16xi32>, vector<16xi32>, vector<16xi32>)  : i32 {
        %parallel_loop3A_90 = arith.constant 0 : i32
        %parallel_loop3A_91 = arith.addi %parallel_loop3A_17, %parallel_loop3A_90 : i32
        %parallel_loop3A_92 = arith.index_cast %scan3A : i32 to index
        %parallel_loop3A_93 = arith.index_cast %parallel_loop3A_91 : i32 to index
        %parallel_loop3A_94 = tpu.vector_load %arg6[%parallel_loop3A_92, %parallel_loop3A_93] {strides = array<i32>} : memref<50x512xi32, #tpu.memory_space<vmem>>, vector<16xi32>,
        %parallel_loop3A_95 = arith.constant 1 : i32
        %parallel_loop3A_96 = vector.broadcast %parallel_loop3A_95 : i32 to vector<16xi32>
        %parallel_loop3A_97 = arith.andi %parallel_loop3A_94, %parallel_loop3A_96 : vector<16xi32>
        %parallel_loop3A_98 = arith.constant 1 : i32
        %parallel_loop3A_99 = vector.broadcast %parallel_loop3A_98 : i32 to vector<16xi32>
        %parallel_loop3A_100 = arith.shrsi %parallel_loop3A_94, %parallel_loop3A_99 : vector<16xi32>
        %parallel_loop3A_101 = arith.addi %scan3A_78, %parallel_loop3A_97 : vector<16xi32>
        %parallel_loop3A_102 = arith.addi %scan3A_82, %parallel_loop3A_100 : vector<16xi32>
        %parallel_loop3A_103 = arith.andi %parallel_loop3A_97, %parallel_loop3A_100 : vector<16xi32>
        %parallel_loop3A_104 = arith.addi %scan3A_86, %parallel_loop3A_103 : vector<16xi32>
        %parallel_loop3A_105 = arith.constant 16 : i32
        %parallel_loop3A_106 = arith.addi %parallel_loop3A_17, %parallel_loop3A_105 : i32
        %parallel_loop3A_107 = arith.index_cast %scan3A : i32 to index
        %parallel_loop3A_108 = arith.index_cast %parallel_loop3A_106 : i32 to index
        %parallel_loop3A_109 = tpu.vector_load %arg6[%parallel_loop3A_107, %parallel_loop3A_108] {strides = array<i32>} : memref<50x512xi32, #tpu.memory_space<vmem>>, vector<16xi32>,
        %parallel_loop3A_110 = arith.constant 1 : i32
        %parallel_loop3A_111 = vector.broadcast %parallel_loop3A_110 : i32 to vector<16xi32>
        %parallel_loop3A_112 = arith.andi %parallel_loop3A_109, %parallel_loop3A_111 : vector<16xi32>
        %parallel_loop3A_113 = arith.constant 1 : i32
        %parallel_loop3A_114 = vector.broadcast %parallel_loop3A_113 : i32 to vector<16xi32>
        %parallel_loop3A_115 = arith.shrsi %parallel_loop3A_109, %parallel_loop3A_114 : vector<16xi32>
        %parallel_loop3A_116 = arith.addi %scan3A_79, %parallel_loop3A_112 : vector<16xi32>
        %parallel_loop3A_117 = arith.addi %scan3A_83, %parallel_loop3A_115 : vector<16xi32>
        %parallel_loop3A_118 = arith.andi %parallel_loop3A_112, %parallel_loop3A_115 : vector<16xi32>
        %parallel_loop3A_119 = arith.addi %scan3A_87, %parallel_loop3A_118 : vector<16xi32>
        %parallel_loop3A_120 = arith.constant 32 : i32
        %parallel_loop3A_121 = arith.addi %parallel_loop3A_17, %parallel_loop3A_120 : i32
        %parallel_loop3A_122 = arith.index_cast %scan3A : i32 to index
        %parallel_loop3A_123 = arith.index_cast %parallel_loop3A_121 : i32 to index
        %parallel_loop3A_124 = tpu.vector_load %arg6[%parallel_loop3A_122, %parallel_loop3A_123] {strides = array<i32>} : memref<50x512xi32, #tpu.memory_space<vmem>>, vector<16xi32>,
        %parallel_loop3A_125 = arith.constant 1 : i32
        %parallel_loop3A_126 = vector.broadcast %parallel_loop3A_125 : i32 to vector<16xi32>
        %parallel_loop3A_127 = arith.andi %parallel_loop3A_124, %parallel_loop3A_126 : vector<16xi32>
        %parallel_loop3A_128 = arith.constant 1 : i32
        %parallel_loop3A_129 = vector.broadcast %parallel_loop3A_128 : i32 to vector<16xi32>
        %parallel_loop3A_130 = arith.shrsi %parallel_loop3A_124, %parallel_loop3A_129 : vector<16xi32>
        %parallel_loop3A_131 = arith.addi %scan3A_80, %parallel_loop3A_127 : vector<16xi32>
        %parallel_loop3A_132 = arith.addi %scan3A_84, %parallel_loop3A_130 : vector<16xi32>
        %parallel_loop3A_133 = arith.andi %parallel_loop3A_127, %parallel_loop3A_130 : vector<16xi32>
        %parallel_loop3A_134 = arith.addi %scan3A_88, %parallel_loop3A_133 : vector<16xi32>
        %parallel_loop3A_135 = arith.constant 48 : i32
        %parallel_loop3A_136 = arith.addi %parallel_loop3A_17, %parallel_loop3A_135 : i32
        %parallel_loop3A_137 = arith.index_cast %scan3A : i32 to index
        %parallel_loop3A_138 = arith.index_cast %parallel_loop3A_136 : i32 to index
        %parallel_loop3A_139 = tpu.vector_load %arg6[%parallel_loop3A_137, %parallel_loop3A_138] {strides = array<i32>} : memref<50x512xi32, #tpu.memory_space<vmem>>, vector<16xi32>,
        %parallel_loop3A_140 = arith.constant 1 : i32
        %parallel_loop3A_141 = vector.broadcast %parallel_loop3A_140 : i32 to vector<16xi32>
        %parallel_loop3A_142 = arith.andi %parallel_loop3A_139, %parallel_loop3A_141 : vector<16xi32>
        %parallel_loop3A_143 = arith.constant 1 : i32
        %parallel_loop3A_144 = vector.broadcast %parallel_loop3A_143 : i32 to vector<16xi32>
        %parallel_loop3A_145 = arith.shrsi %parallel_loop3A_139, %parallel_loop3A_144 : vector<16xi32>
        %parallel_loop3A_146 = arith.addi %scan3A_81, %parallel_loop3A_142 : vector<16xi32>
        %parallel_loop3A_147 = arith.addi %scan3A_85, %parallel_loop3A_145 : vector<16xi32>
        %parallel_loop3A_148 = arith.andi %parallel_loop3A_142, %parallel_loop3A_145 : vector<16xi32>
        %parallel_loop3A_149 = arith.addi %scan3A_89, %parallel_loop3A_148 : vector<16xi32>
        scf.yield %parallel_loop3A_101, %parallel_loop3A_116, %parallel_loop3A_131, %parallel_loop3A_146, %parallel_loop3A_102, %parallel_loop3A_117, %parallel_loop3A_132, %parallel_loop3A_147, %parallel_loop3A_104, %parallel_loop3A_119, %parallel_loop3A_134, %parallel_loop3A_149 : vector<16xi32>, vector<16xi32>, vector<16xi32>, vector<16xi32>, vector<16xi32>, vector<16xi32>, vector<16xi32>, vector<16xi32>, vector<16xi32>, vector<16xi32>, vector<16xi32>, vector<16xi32>
      }
      %parallel_loop3A_25 = arith.constant 50 : i32
      %parallel_loop3A_26 = arith.constant 0 : i32
      %parallel_loop3A_27 = arith.addi %parallel_loop3A_17, %parallel_loop3A_26 : i32
      %parallel_loop3A_28 = arith.subi %parallel_loop3A_24#0, %parallel_loop3A_24#8 : vector<16xi32>
      %parallel_loop3A_29 = arith.sitofp %parallel_loop3A_28 : vector<16xi32> to vector<16xf32>
      %parallel_loop3A_30 = arith.index_cast %parallel_loop3A_27 : i32 to index
      %parallel_loop3A_31 = tpu.vector_load %arg7[%parallel_loop3A_30] {strides = array<i32>} : memref<512xf32, #tpu.memory_space<vmem>>, vector<16xf32>,
      tpu.vector_store %arg7[%parallel_loop3A_30], %parallel_loop3A_29 {strides = array<i32>} : memref<512xf32, #tpu.memory_space<vmem>>, vector<16xf32>,
      %parallel_loop3A_32 = arith.subi %parallel_loop3A_24#4, %parallel_loop3A_24#8 : vector<16xi32>
      %parallel_loop3A_33 = arith.sitofp %parallel_loop3A_32 : vector<16xi32> to vector<16xf32>
      %parallel_loop3A_34 = arith.index_cast %parallel_loop3A_27 : i32 to index
      %parallel_loop3A_35 = tpu.vector_load %arg8[%parallel_loop3A_34] {strides = array<i32>} : memref<512xf32, #tpu.memory_space<vmem>>, vector<16xf32>,
      tpu.vector_store %arg8[%parallel_loop3A_34], %parallel_loop3A_33 {strides = array<i32>} : memref<512xf32, #tpu.memory_space<vmem>>, vector<16xf32>,
      %parallel_loop3A_36 = arith.sitofp %parallel_loop3A_24#8 : vector<16xi32> to vector<16xf32>
      %parallel_loop3A_37 = arith.index_cast %parallel_loop3A_27 : i32 to index
      %parallel_loop3A_38 = tpu.vector_load %arg9[%parallel_loop3A_37] {strides = array<i32>} : memref<512xf32, #tpu.memory_space<vmem>>, vector<16xf32>,
      tpu.vector_store %arg9[%parallel_loop3A_37], %parallel_loop3A_36 {strides = array<i32>} : memref<512xf32, #tpu.memory_space<vmem>>, vector<16xf32>,
      %parallel_loop3A_39 = arith.constant 16 : i32
      %parallel_loop3A_40 = arith.addi %parallel_loop3A_17, %parallel_loop3A_39 : i32
      %parallel_loop3A_41 = arith.subi %parallel_loop3A_24#1, %parallel_loop3A_24#9 : vector<16xi32>
      %parallel_loop3A_42 = arith.sitofp %parallel_loop3A_41 : vector<16xi32> to vector<16xf32>
      %parallel_loop3A_43 = arith.index_cast %parallel_loop3A_40 : i32 to index
      %parallel_loop3A_44 = tpu.vector_load %arg7[%parallel_loop3A_43] {strides = array<i32>} : memref<512xf32, #tpu.memory_space<vmem>>, vector<16xf32>,
      tpu.vector_store %arg7[%parallel_loop3A_43], %parallel_loop3A_42 {strides = array<i32>} : memref<512xf32, #tpu.memory_space<vmem>>, vector<16xf32>,
      %parallel_loop3A_45 = arith.subi %parallel_loop3A_24#5, %parallel_loop3A_24#9 : vector<16xi32>
      %parallel_loop3A_46 = arith.sitofp %parallel_loop3A_45 : vector<16xi32> to vector<16xf32>
      %parallel_loop3A_47 = arith.index_cast %parallel_loop3A_40 : i32 to index
      %parallel_loop3A_48 = tpu.vector_load %arg8[%parallel_loop3A_47] {strides = array<i32>} : memref<512xf32, #tpu.memory_space<vmem>>, vector<16xf32>,
      tpu.vector_store %arg8[%parallel_loop3A_47], %parallel_loop3A_46 {strides = array<i32>} : memref<512xf32, #tpu.memory_space<vmem>>, vector<16xf32>,
      %parallel_loop3A_49 = arith.sitofp %parallel_loop3A_24#9 : vector<16xi32> to vector<16xf32>
      %parallel_loop3A_50 = arith.index_cast %parallel_loop3A_40 : i32 to index
      %parallel_loop3A_51 = tpu.vector_load %arg9[%parallel_loop3A_50] {strides = array<i32>} : memref<512xf32, #tpu.memory_space<vmem>>, vector<16xf32>,
      tpu.vector_store %arg9[%parallel_loop3A_50], %parallel_loop3A_49 {strides = array<i32>} : memref<512xf32, #tpu.memory_space<vmem>>, vector<16xf32>,
      %parallel_loop3A_52 = arith.constant 32 : i32
      %parallel_loop3A_53 = arith.addi %parallel_loop3A_17, %parallel_loop3A_52 : i32
      %parallel_loop3A_54 = arith.subi %parallel_loop3A_24#2, %parallel_loop3A_24#10 : vector<16xi32>
      %parallel_loop3A_55 = arith.sitofp %parallel_loop3A_54 : vector<16xi32> to vector<16xf32>
      %parallel_loop3A_56 = arith.index_cast %parallel_loop3A_53 : i32 to index
      %parallel_loop3A_57 = tpu.vector_load %arg7[%parallel_loop3A_56] {strides = array<i32>} : memref<512xf32, #tpu.memory_space<vmem>>, vector<16xf32>,
      tpu.vector_store %arg7[%parallel_loop3A_56], %parallel_loop3A_55 {strides = array<i32>} : memref<512xf32, #tpu.memory_space<vmem>>, vector<16xf32>,
      %parallel_loop3A_58 = arith.subi %parallel_loop3A_24#6, %parallel_loop3A_24#10 : vector<16xi32>
      %parallel_loop3A_59 = arith.sitofp %parallel_loop3A_58 : vector<16xi32> to vector<16xf32>
      %parallel_loop3A_60 = arith.index_cast %parallel_loop3A_53 : i32 to index
      %parallel_loop3A_61 = tpu.vector_load %arg8[%parallel_loop3A_60] {strides = array<i32>} : memref<512xf32, #tpu.memory_space<vmem>>, vector<16xf32>,
      tpu.vector_store %arg8[%parallel_loop3A_60], %parallel_loop3A_59 {strides = array<i32>} : memref<512xf32, #tpu.memory_space<vmem>>, vector<16xf32>,
      %parallel_loop3A_62 = arith.sitofp %parallel_loop3A_24#10 : vector<16xi32> to vector<16xf32>
      %parallel_loop3A_63 = arith.index_cast %parallel_loop3A_53 : i32 to index
      %parallel_loop3A_64 = tpu.vector_load %arg9[%parallel_loop3A_63] {strides = array<i32>} : memref<512xf32, #tpu.memory_space<vmem>>, vector<16xf32>,
      tpu.vector_store %arg9[%parallel_loop3A_63], %parallel_loop3A_62 {strides = array<i32>} : memref<512xf32, #tpu.memory_space<vmem>>, vector<16xf32>,
      %parallel_loop3A_65 = arith.constant 48 : i32
      %parallel_loop3A_66 = arith.addi %parallel_loop3A_17, %parallel_loop3A_65 : i32
      %parallel_loop3A_67 = arith.subi %parallel_loop3A_24#3, %parallel_loop3A_24#11 : vector<16xi32>
      %parallel_loop3A_68 = arith.sitofp %parallel_loop3A_67 : vector<16xi32> to vector<16xf32>
      %parallel_loop3A_69 = arith.index_cast %parallel_loop3A_66 : i32 to index
      %parallel_loop3A_70 = tpu.vector_load %arg7[%parallel_loop3A_69] {strides = array<i32>} : memref<512xf32, #tpu.memory_space<vmem>>, vector<16xf32>,
      tpu.vector_store %arg7[%parallel_loop3A_69], %parallel_loop3A_68 {strides = array<i32>} : memref<512xf32, #tpu.memory_space<vmem>>, vector<16xf32>,
      %parallel_loop3A_71 = arith.subi %parallel_loop3A_24#7, %parallel_loop3A_24#11 : vector<16xi32>
      %parallel_loop3A_72 = arith.sitofp %parallel_loop3A_71 : vector<16xi32> to vector<16xf32>
      %parallel_loop3A_73 = arith.index_cast %parallel_loop3A_66 : i32 to index
      %parallel_loop3A_74 = tpu.vector_load %arg8[%parallel_loop3A_73] {strides = array<i32>} : memref<512xf32, #tpu.memory_space<vmem>>, vector<16xf32>,
      tpu.vector_store %arg8[%parallel_loop3A_73], %parallel_loop3A_72 {strides = array<i32>} : memref<512xf32, #tpu.memory_space<vmem>>, vector<16xf32>,
      %parallel_loop3A_75 = arith.sitofp %parallel_loop3A_24#11 : vector<16xi32> to vector<16xf32>
      %parallel_loop3A_76 = arith.index_cast %parallel_loop3A_66 : i32 to index
      %parallel_loop3A_77 = tpu.vector_load %arg9[%parallel_loop3A_76] {strides = array<i32>} : memref<512xf32, #tpu.memory_space<vmem>>, vector<16xf32>,
      tpu.vector_store %arg9[%parallel_loop3A_76], %parallel_loop3A_75 {strides = array<i32>} : memref<512xf32, #tpu.memory_space<vmem>>, vector<16xf32>,
    } {sc.loop_unroll_factor = 1 : i64, sc.parallel_access}
    %dma_start3A = tpu.memref_slice %arg3[%mul3A_2] : memref<16384xf32, #tpu.memory_space<hbm>> -> memref<512xf32, #tpu.memory_space<hbm>>
    %dma_start3A_5 = tpu.memref_slice %arg3[%mul3A_2] : memref<16384xf32, #tpu.memory_space<hbm>> -> memref<512xf32, #tpu.memory_space<hbm>>
    tpu.enqueue_dma source(%arg7 : memref<512xf32, #tpu.memory_space<vmem>>) target(%dma_start3A_5 : memref<512xf32, #tpu.memory_space<hbm>>) target_semaphore(%arg10 : memref<!tpu.dma_semaphore, #tpu.memory_space<semaphore_mem>>)
    %dma_start3A_6 = tpu.memref_slice %arg4[%mul3A_2] : memref<16384xf32, #tpu.memory_space<hbm>> -> memref<512xf32, #tpu.memory_space<hbm>>
    %dma_start3A_7 = tpu.memref_slice %arg4[%mul3A_2] : memref<16384xf32, #tpu.memory_space<hbm>> -> memref<512xf32, #tpu.memory_space<hbm>>
    tpu.enqueue_dma source(%arg8 : memref<512xf32, #tpu.memory_space<vmem>>) target(%dma_start3A_7 : memref<512xf32, #tpu.memory_space<hbm>>) target_semaphore(%arg10 : memref<!tpu.dma_semaphore, #tpu.memory_space<semaphore_mem>>)
    %dma_start3A_8 = tpu.memref_slice %arg5[%mul3A_2] : memref<16384xf32, #tpu.memory_space<hbm>> -> memref<512xf32, #tpu.memory_space<hbm>>
    %dma_start3A_9 = tpu.memref_slice %arg5[%mul3A_2] : memref<16384xf32, #tpu.memory_space<hbm>> -> memref<512xf32, #tpu.memory_space<hbm>>
    tpu.enqueue_dma source(%arg9 : memref<512xf32, #tpu.memory_space<vmem>>) target(%dma_start3A_9 : memref<512xf32, #tpu.memory_space<hbm>>) target_semaphore(%arg10 : memref<!tpu.dma_semaphore, #tpu.memory_space<semaphore_mem>>)
    %dma_wait3A = tpu.memref_slice %arg3[%mul3A_2] : memref<16384xf32, #tpu.memory_space<hbm>> -> memref<512xf32, #tpu.memory_space<hbm>>
    %dma_wait3A_10 = tpu.memref_slice %arg3[%mul3A_2] : memref<16384xf32, #tpu.memory_space<hbm>> -> memref<512xf32, #tpu.memory_space<hbm>>
    tpu.wait_dma2 semaphore(%arg10 : memref<!tpu.dma_semaphore, #tpu.memory_space<semaphore_mem>>) src(%arg7 : memref<512xf32, #tpu.memory_space<vmem>>) dst(%dma_wait3A_10 : memref<512xf32, #tpu.memory_space<hbm>>)
    %dma_wait3A_11 = tpu.memref_slice %arg4[%mul3A_2] : memref<16384xf32, #tpu.memory_space<hbm>> -> memref<512xf32, #tpu.memory_space<hbm>>
    %dma_wait3A_12 = tpu.memref_slice %arg4[%mul3A_2] : memref<16384xf32, #tpu.memory_space<hbm>> -> memref<512xf32, #tpu.memory_space<hbm>>
    tpu.wait_dma2 semaphore(%arg10 : memref<!tpu.dma_semaphore, #tpu.memory_space<semaphore_mem>>) src(%arg8 : memref<512xf32, #tpu.memory_space<vmem>>) dst(%dma_wait3A_12 : memref<512xf32, #tpu.memory_space<hbm>>)
    %dma_wait3A_13 = tpu.memref_slice %arg5[%mul3A_2] : memref<16384xf32, #tpu.memory_space<hbm>> -> memref<512xf32, #tpu.memory_space<hbm>>
    %dma_wait3A_14 = tpu.memref_slice %arg5[%mul3A_2] : memref<16384xf32, #tpu.memory_space<hbm>> -> memref<512xf32, #tpu.memory_space<hbm>>
    tpu.wait_dma2 semaphore(%arg10 : memref<!tpu.dma_semaphore, #tpu.memory_space<semaphore_mem>>) src(%arg9 : memref<512xf32, #tpu.memory_space<vmem>>) dst(%dma_wait3A_14 : memref<512xf32, #tpu.memory_space<hbm>>)
    return
  }
}

module attributes {stable_mosaic.version = 14 : i64} {
  func.func @_tc_body(%arg0: i32, %arg1: memref<8192xf32, #tpu.memory_space<vmem>>, %arg2: memref<8192xf32, #tpu.memory_space<vmem>>, %arg3: memref<8192xf32, #tpu.memory_space<vmem>>, %arg4: memref<4x64xf32, #tpu.memory_space<vmem>>, %arg5: memref<64x8192xf32, #tpu.memory_space<vmem>>) attributes {dimension_semantics = [#tpu.dimension_semantics<arbitrary>], iteration_bounds = array<i64: 2>, scalar_prefetch = 0 : i64, scratch_operands = 0 : i64, tpu.core_type = #tpu.core_type<tc>, window_params = [{transform_indices = @transform_0, window_bounds = array<i64: 8192>}, {transform_indices = @transform_1, window_bounds = array<i64: 8192>}, {transform_indices = @transform_2, window_bounds = array<i64: 8192>}, {pipeline_mode = #tpu.pipeline_mode<synchronous>, transform_indices = @transform_3, window_bounds = array<i64: 4, 64>}, {transform_indices = @transform_4, window_bounds = array<i64: 64, 8192>}]} {
    %get3A = arith.constant 0 : index
    %get3A_0 = arith.constant 0 : index
    %get3A_1 = vector.load %arg4[%get3A, %get3A_0] : memref<4x64xf32, #tpu.memory_space<vmem>>, vector<4x64xf32>
    %transpose3A = tpu.transpose %get3A_1, [1, 0] : vector<4x64xf32> -> vector<64x4xf32>
    %slice3A = vector.extract_strided_slice %transpose3A {offsets = [0, 0], sizes = [64, 1], strides = [1, 1]} : vector<64x4xf32> to vector<64x1xf32>
    %slice3A_2 = vector.extract_strided_slice %transpose3A {offsets = [0, 1], sizes = [64, 1], strides = [1, 1]} : vector<64x4xf32> to vector<64x1xf32>
    %sub3A = arith.subf %slice3A_2, %slice3A : vector<64x1xf32>
    %mul3A = arith.constant 2.000000e-02 : f32
    %mul3A_3 = vector.broadcast %mul3A : f32 to vector<64x1xf32>
    %mul3A_4 = arith.mulf %sub3A, %mul3A_3 : vector<64x1xf32>
    %slice3A_5 = vector.extract_strided_slice %transpose3A {offsets = [0, 2], sizes = [64, 1], strides = [1, 1]} : vector<64x4xf32> to vector<64x1xf32>
    %sub3A_6 = arith.subf %slice3A_5, %slice3A : vector<64x1xf32>
    %mul3A_7 = arith.constant 2.000000e-02 : f32
    %mul3A_8 = vector.broadcast %mul3A_7 : f32 to vector<64x1xf32>
    %mul3A_9 = arith.mulf %sub3A_6, %mul3A_8 : vector<64x1xf32>
    %slice3A_10 = vector.extract_strided_slice %transpose3A {offsets = [0, 3], sizes = [64, 1], strides = [1, 1]} : vector<64x4xf32> to vector<64x1xf32>
    %sub3A_11 = arith.subf %slice3A_10, %slice3A : vector<64x1xf32>
    %mul3A_12 = arith.constant 2.000000e-02 : f32
    %mul3A_13 = vector.broadcast %mul3A_12 : f32 to vector<64x1xf32>
    %mul3A_14 = arith.mulf %sub3A_11, %mul3A_13 : vector<64x1xf32>
    %get3A_15 = arith.constant 0 : index
    %get3A_16 = vector.load %arg1[%get3A_15] : memref<8192xf32, #tpu.memory_space<vmem>>, vector<8192xf32>
    %broadcast_in_dim3A = vector.shape_cast %get3A_16 : vector<8192xf32> to vector<1x8192xf32>
    %get3A_17 = arith.constant 0 : index
    %get3A_18 = vector.load %arg2[%get3A_17] : memref<8192xf32, #tpu.memory_space<vmem>>, vector<8192xf32>
    %broadcast_in_dim3A_19 = vector.shape_cast %get3A_18 : vector<8192xf32> to vector<1x8192xf32>
    %get3A_20 = arith.constant 0 : index
    %get3A_21 = vector.load %arg3[%get3A_20] : memref<8192xf32, #tpu.memory_space<vmem>>, vector<8192xf32>
    %broadcast_in_dim3A_22 = vector.shape_cast %get3A_21 : vector<8192xf32> to vector<1x8192xf32>
    %mul3A_23 = vector.broadcast %mul3A_4 : vector<64x1xf32> to vector<64x8192xf32>
    %mul3A_24 = vector.broadcast %broadcast_in_dim3A : vector<1x8192xf32> to vector<64x8192xf32>
    %mul3A_25 = arith.mulf %mul3A_23, %mul3A_24 : vector<64x8192xf32>
    %add3A = vector.broadcast %slice3A : vector<64x1xf32> to vector<64x8192xf32>
    %add3A_26 = arith.addf %add3A, %mul3A_25 : vector<64x8192xf32>
    %mul3A_27 = vector.broadcast %mul3A_9 : vector<64x1xf32> to vector<64x8192xf32>
    %mul3A_28 = vector.broadcast %broadcast_in_dim3A_19 : vector<1x8192xf32> to vector<64x8192xf32>
    %mul3A_29 = arith.mulf %mul3A_27, %mul3A_28 : vector<64x8192xf32>
    %add3A_30 = arith.addf %add3A_26, %mul3A_29 : vector<64x8192xf32>
    %mul3A_31 = vector.broadcast %mul3A_14 : vector<64x1xf32> to vector<64x8192xf32>
    %mul3A_32 = vector.broadcast %broadcast_in_dim3A_22 : vector<1x8192xf32> to vector<64x8192xf32>
    %mul3A_33 = arith.mulf %mul3A_31, %mul3A_32 : vector<64x8192xf32>
    %add3A_34 = arith.addf %add3A_30, %mul3A_33 : vector<64x8192xf32>
    %swap3A = arith.constant 0 : index
    %swap3A_35 = arith.constant 0 : index
    %swap3A_36 = vector.load %arg5[%swap3A, %swap3A_35] : memref<64x8192xf32, #tpu.memory_space<vmem>>, vector<64x8192xf32>
    tpu.vector_store %arg5[%swap3A, %swap3A_35], %add3A_34 {strides = array<i32>} : memref<64x8192xf32, #tpu.memory_space<vmem>>, vector<64x8192xf32>,
    return
  }
  func.func @transform_0(%arg0: i32) -> i32 {
    %c0_i32 = arith.constant 0 : i32
    return %arg0 : i32
  }
  func.func @transform_1(%arg0: i32) -> i32 {
    %c0_i32 = arith.constant 0 : i32
    return %arg0 : i32
  }
  func.func @transform_2(%arg0: i32) -> i32 {
    %c0_i32 = arith.constant 0 : i32
    return %arg0 : i32
  }
  func.func @transform_3(%arg0: i32) -> (i32, i32) {
    %c0_i32 = arith.constant 0 : i32
    %c0_i32_0 = arith.constant 0 : i32
    %c0_i32_1 = arith.constant 0 : i32
    return %c0_i32, %c0_i32_0 : i32, i32
  }
  func.func @transform_4(%arg0: i32) -> (i32, i32) {
    %c0_i32 = arith.constant 0 : i32
    %c0_i32_0 = arith.constant 0 : i32
    return %c0_i32, %arg0 : i32, i32
  }
}

</mosaic_0001>

<sc_bundles>
// kernel: kernel.4.cloned.1.call-start
scs
__scs_entry_jumppad:
0x0: {  	(pc) =	sbr.rel $0x88, $3  }
0x1: {  	(tag) =	ssettag $0x0;
	lr =	simm.s32 $0x1  }
0x2: {  	[smem:$0x3F9F] =	sst lr;
	_ =	strace $0xD0000000  }
0x3: {  	_ = 	snop  }
0x4: {  	_ = 	snop  }
0x5: {  	_ = 	snop  }
0x6: {  	_ = 	snop  }
0x7: {  	_ = 	snop  }
__scs_overlays_trampoline_lowered:
0x8: {  	[smem:$0x3FAE] =	sst s0  }
0x9: {  	[smem:$0x3FAF] =	sst s1  }
0xa: {  	[smem:$0x3FB0] =	sst s2  }
0xb: {  	[smem:$0x3FB1] =	sst s3  }
0xc: {  	[smem:$0x3FB2] =	sst s4  }
0xd: {  	[smem:$0x3FB3] =	sst s5  }
0xe: {  	[smem:$0x3FB4] =	sst s6  }
0xf: {  	[smem:$0x3FB5] =	sst s7  }
0x10: {  	[smem:$0x3FB6] =	sst s8  }
0x11: {  	[smem:$0x3FB7] =	sst s9;
	s0 =	simm.s32 @!p0 $0x0  }
0x12: {  	s1 =	sld [smem:$0x3F9D];
	s0 =	simm.s32 @p0 $0x1  }
0x13: {  	[smem:$0x3FB8] =	sst s0;
	s0 =	simm.s32 @!p1 $0x0  }
0x14: {  	s2 =	sld [smem:$0x3F9C];
	s0 =	simm.s32 @p1 $0x1  }
0x15: {  	[smem:$0x3FB9] =	sst s0;
	s0 =	simm.s32 @!p2 $0x0  }
0x16: {  	s3 =	sld [smem:$0x3FDB];
	s0 =	simm.s32 @p2 $0x1  }
0x17: {  	s4 =	simm.s32 $0x1BF5;
	[smem:$0x3FBB] =	sst s0  }
0x18: {  	s0 =	sld [smem:$0x3F9E];
	_ =	swait.ge [sflag:s4], $0x0  }
0x19: {  	s7 =	sld [smem:$0x3F9F]  }
0x1a: {  	s8 =	sadd.s32 $0xFFFFE003, lr  }
0x1b: {  	s9 =	sadd.s32 $0xFFFFFEF7, lr;
	s5 =	simm.s32 $0xFFFFFFFF;
	p2 =	slt.u32 s8, $0xFFFFF086  }
0x1c: {  	p1 =	slt.u32 s9, $0xF7A;
	s5 =	simm.s32 @!p2 $0x0  }
0x1d: {  	s5 =	simm.s32 @p1 $0x1;
	p0 =	seq.s32 s7, s2  }
0x1e: {  	s7 =	smul.u32 @!p0 $0xF7A, s2;
	p2 =	seq.s32 @!p0 s5, $0x0  }
0x1f: {  	s9 =	smul.u32 $0xF7A, s1;
	s8 =	simm.s32 @!p0 $0x1BF5;
	p2 =	por !p2, p0  }
0x20: {  	[sflag:s8] =	ssyncset.s32 @!p0 $0xFFFFF086;
	s6 =	sadd.s32 @!p0 s3, s7;
	s7 =	simm.s32 @!p0 $0x108  }
0x21: {  	s3 =	sadd.s32 s3, s9;
	s6 =	sadd.s32 @!p0 $0x88, s6;
	s7 =	simm.s32 @p2 $0x1082  }
0x22: {  	[simem:s7], [sflag:s8] =	dma.local @!p0 [hbm:s6], $0xF7A  }
0x23: {  	s9 =	sor.u32 $0xD0000000, s2;
	s6 =	simm.s32 $0x108;
	_ =	swait.ge @!p0 [sflag:s8], $0x0  }
0x24: {  	s3 =	sadd.s32 $0x88, s3;
	s6 =	simm.s32 @!p1 $0x1082;
	[sflag:s4] =	ssyncset.s32 $0xFFFFF086  }
0x25: {  	[simem:s6], [sflag:s4] =	dma.local [hbm:s3], $0xF7A  }
0x26: {  	[smem:$0x3F9F] =	sst s1;
	(tag) =	ssettag s2;
	_ =	strace s9  }
0x27: {  	s1 =	sld [smem:$0x3FAF]  }
0x28: {  	s2 =	sld [smem:$0x3FB0]  }
0x29: {  	s4 =	sld [smem:$0x3FB2]  }
0x2a: {  	p0 =	seq.s32 s5, $0x0;
	s5 =	sld [smem:$0x3FB3]  }
0x2b: {  	s6 =	sld [smem:$0x3FB4]  }
0x2c: {  	s7 =	sld [smem:$0x3FB5]  }
0x2d: {  	s3 =	simm.s32 $0x108;
	s8 =	sld [smem:$0x3FB6]  }
0x2e: {  	s3 =	simm.s32 @!p0 $0x1082;
	s9 =	sld [smem:$0x3FB7]  }
0x2f: {  	lr =	sadd.s32 s0, s3;
	s0 =	sld [smem:$0x3FAE]  }
0x30: {  	s3 =	sld [smem:$0x3FB1]  }
0x31: {  	[smem:$0x3FBA] =	sst s10  }
0x32: {  	s10 =	sld [smem:$0x3FB8];
	_ =	sdelay $0x3  }
0x33: {  	p0 =	seq.s32 s10, $0x1;
	s10 =	sld [smem:$0x3FBA];
	_ =	sdelay $0x3  }
0x34: {  	[smem:$0x3FBA] =	sst s10  }
0x35: {  	s10 =	sld [smem:$0x3FB9];
	_ =	sdelay $0x3  }
0x36: {  	p1 =	seq.s32 s10, $0x1;
	s10 =	sld [smem:$0x3FBA];
	_ =	sdelay $0x3  }
0x37: {  	[smem:$0x3FBA] =	sst s10  }
0x38: {  	s10 =	sld [smem:$0x3FBB]  }
0x39: {  	_ = 	snop;
	(pc) =	sbr.ind lr, $3  }
0x3a: {  	_ = 	snop  }
0x3b: {  	_ = 	snop  }
0x3c: {  	p2 =	seq.s32 s10, $0x1;
	s10 =	sld [smem:$0x3FBA]  }
0x3d: {  	_ =	shalt  }
0x3e: {  	_ =	shalt  }
0x3f: {  	_ =	shalt  }
0x40: {  	_ =	shalt  }
0x41: {  	_ =	shalt  }
0x42: {  	_ =	shalt  }
0x43: {  	_ =	shalt  }
0x44: {  	_ =	shalt  }
0x45: {  	_ =	shalt  }
0x46: {  	_ =	shalt  }
0x47: {  	_ =	shalt  }
0x48: {  	_ =	shalt  }
0x49: {  	_ =	shalt  }
0x4a: {  	_ =	shalt  }
0x4b: {  	_ =	shalt  }
0x4c: {  	_ =	shalt  }
0x4d: {  	_ =	shalt  }
0x4e: {  	_ =	shalt  }
0x4f: {  	_ =	shalt  }
0x50: {  	_ =	shalt  }
0x51: {  	_ =	shalt  }
0x52: {  	_ =	shalt  }
0x53: {  	_ =	shalt  }
0x54: {  	_ =	shalt  }
0x55: {  	_ =	shalt  }
0x56: {  	_ =	shalt  }
0x57: {  	_ =	shalt  }
0x58: {  	_ =	shalt  }
0x59: {  	_ =	shalt  }
0x5a: {  	_ =	shalt  }
0x5b: {  	_ =	shalt  }
0x5c: {  	_ =	shalt  }
0x5d: {  	_ =	shalt  }
0x5e: {  	_ =	shalt  }
0x5f: {  	_ =	shalt  }
0x60: {  	_ =	shalt  }
0x61: {  	_ =	shalt  }
0x62: {  	_ =	shalt  }
0x63: {  	_ =	shalt  }
0x64: {  	_ =	shalt  }
0x65: {  	_ =	shalt  }
0x66: {  	_ =	shalt  }
0x67: {  	_ =	shalt  }
0x68: {  	_ =	shalt  }
0x69: {  	_ =	shalt  }
0x6a: {  	_ =	shalt  }
0x6b: {  	_ =	shalt  }
0x6c: {  	_ =	shalt  }
0x6d: {  	_ =	shalt  }
0x6e: {  	_ =	shalt  }
0x6f: {  	_ =	shalt  }
0x70: {  	_ =	shalt  }
0x71: {  	_ =	shalt  }
0x72: {  	_ =	shalt  }
0x73: {  	_ =	shalt  }
0x74: {  	_ =	shalt  }
0x75: {  	_ =	shalt  }
0x76: {  	_ =	shalt  }
0x77: {  	_ =	shalt  }
0x78: {  	_ =	shalt  }
0x79: {  	_ =	shalt  }
0x7a: {  	_ =	shalt  }
0x7b: {  	_ =	shalt  }
0x7c: {  	_ =	shalt  }
0x7d: {  	_ =	shalt  }
0x7e: {  	_ =	shalt  }
0x7f: {  	_ =	shalt  }
0x80: {  	_ =	shalt  }
0x81: {  	_ =	shalt  }
0x82: {  	_ =	shalt  }
0x83: {  	_ =	shalt  }
0x84: {  	_ =	shalt  }
0x85: {  	_ =	shalt  }
0x86: {  	_ =	shalt  }
0x87: {  	_ =	shalt  }
.Lfunc_end0:
.L_simem_size_0:
called_computation_lowered:
.L_overlay_start_0:
0x88: {  	s2 =	sld [smem:$0x3FD9]  }
0x89: {  	s3 =	sld [smem:$0x3FFE];
	_ =	sdelay $0x1  }
0x8a: {  	s1 =	srdreg.scid  }
0x8b: {  	s0 =	sand.u32 $0x1, s1  }
0x8c: {  	s17 =	sshll.u32 s0, $0xA;
	s2 =	sadd.s32 s3, s2  }
0x8d: {  	s2 =	sadd.s32 s2, s17  }
0x8e: {  	[smem:$0x3FC6] =	sst s2  }
0x8f: {  	_ = 	snop  }
0x90: {  	s2 =	sld [smem:$0x3FC9]  }
0x91: {  	s18 =	sld [smem:$0x3FD0];
	(tm) =	ssettm $0x1  }
0x92: {  	s4 =	sld [smem:$0x3FFB];
	_ =	sdelay $0x3  }
0x93: {  	_ =	strace s4  }
0x94: {  	s4 =	sld [smem:$0x3FFC];
	_ =	sdelay $0x3  }
0x95: {  	_ =	strace s4  }
0x96: {  	s4 =	sld [smem:$0x3FFD];
	_ =	sdelay $0x3  }
0x97: {  	_ =	strace s4  }
0x98: {  	_ =	strace $0x8FFFFFFF  }
0x99: {  	s19 =	sld [smem:$0x3FDB];
	_ =	sdelay $0x1  }
0x9a: {  	s5 =	simm.s32 $_scs_section_size  }
0x9b: {  	s6 =	simm.s32 $_size__tile_overlayer_lowered;
	s7 =	simm.s32 $_tile_overlayer_lowered  }
0x9c: {  	s22 =	simm.s32 $0x1BFF;
	s21 =	sshll.u32 s7, $0x1;
	s4 =	sadd.s32 s5, s19  }
0x9d: {  	s8 =	simm.s32 $0x0;
	s20 =	sshll.u32 s6, $0x1;
	s6 =	sadd.s32 s21, s4  }
0x9e: {  	[timem:s8], [sflag:s22] =	dma.local [hbm:s6], s20  }
0x9f: {  	_ =	swait.ge [sflag:s22], s20  }
0xa0: {  	s5 =	ssub.s32 $0x0, s20;
	[sflag:s22] =	ssyncset.done $0x0  }
0xa1: {  	[sflag:s22] =	ssyncadd.s32 s5;
	_ =	sdelay $0x1  }
0xa2: {  	s23 =	simm.s32 $0x1B8B  }
0xa3: {  	_ =	swait.ge [sflag:s23], $0x1  }
0xa4: {  	[sflag:s23] =	ssyncset.done $0x0  }
0xa5: {  	s25 =	simm.s32 $0x1B8E;
	s24 =	sld [smem:$0x3FFE];
	[sflag:s23] =	ssyncadd.s32 $0xFFFFFFFF  }
0xa6: {  	s26 =	simm.s32 $execute0_lowered;
	[smem:$0x3FD2] =	sst s25  }
0xa7: {  	s6 =	sshll.u32 s26, $0x1;
	_ =	strace $0x80000046;
	[dreg:$0x1] =	wrdreg $0xFFFFFFFF  }
0xa8: {  	s28 =	simm.s32 $_size_execute0_lowered;
	s4 =	sadd.s32 s4, s6;
	[dreg:$0x0] =	wrdreg $0x0  }
0xa9: {  	s6 =	sshll.u32 s28, $0x1;
	[dreg:$0x2] =	wrdreg s4  }
0xaa: {  	[dreg:$0x3] =	wrdreg s6  }
0xab: {  	[dreg:$0x4] =	wrdreg $0xC0  }
0xac: {  	_ =	task [dreg:s8], $0x5FFFF  }
0xad: {  	[dreg:$0x1] =	wrdreg $0xFFFFFFFF  }
0xae: {  	[dreg:$0x0] =	wrdreg $0x60  }
0xaf: {  	[dreg:$0x2] =	wrdreg s2  }
0xb0: {  	[dreg:$0x3] =	wrdreg s18  }
0xb1: {  	[dreg:$0x4] =	wrdreg s24  }
0xb2: {  	[dreg:$0x5] =	wrdreg $0x9  }
0xb3: {  	_ =	task.clear_ibuf [dreg:s8], $0x6FFFF;
	_ =	strace $0x90000046  }
0xb4: {  	s29 =	simm.s32 $0x9;
	_ =	strace $0x80000048  }
0xb5: {  	_ =	swait.ge [sflag:s29], $0x1  }
0xb6: {  	[sflag:s29] =	ssyncadd.s32 $0xFFFFFFFF  }
0xb7: {  	_ =	strace $0x90000048  }
0xb8: {  	_ =	sfence  }
0xb9: {  	s30 =	sld [smem:$0x0];
	_ =	sdelay $0x2  }
0xba: {  	s31 =	sshll.u32 s1, $0xD;
	s1 =	sshrl.u32 s1, $0x2  }
0xbb: {  	s3 =	sand.u32 $0x4000, s31;
	s1 =	sadd.s32 s1, s30  }
0xbc: {  	s0 =	sor.u32 s3, s0;
	s1 =	sshll.u32 s1, $0x11  }
0xbd: {  	s0 =	sor.u32 s1, s0  }
0xbe: {  	s0 =	sadd.s32 $0x8F2B, s0  }
0xbf: {  	[sflag:s0] =	ssyncadd.remote.s32 $0x1  }
0xc0: {  	_ =	sfence.sel $0xFFFF  }
0xc1: {  	[dreg:$0x0] =	wrdreg $0xFFFFFFFF;
	(pc) =	sbr.abs _section_cstart, $3  }
0xc2: {  	[dreg:$0x1] =	wrdreg $0xFFFFFFFF  }
0xc3: {  	_ =	task.clear_ibuf [dreg:s8], $0x2FFFF;
	_ =	strace $0x9FFFFFFF  }
0xc4: {  	(tm) =	ssettm $0x7FFFFFFF  }
0xc5: {  	_ =	shalt  }
tec
execute0_lowered:
.L_overlay_start_1:
0x0: {  	(tag) =	ssettag $0x1  }
0x1: {  	s3 =	rddreg [dreg:$0x0]  }
0x2: {  	s4 =	rddreg [dreg:$0x1]  }
0x3: {  	s5 =	rddreg [dreg:$0x2];
	s2 =	srdreg.scid  }
0x4: {  	s0 =	rddreg [dreg:$0x3];
	s1 =	stileid.u32;
	s11 =	simm.s32 $0x7000  }
0x5: {  	s12 =	simm.s32 $0x7200;
	s13 =	simm.s32 $0x7400;
	s14 =	simm.s32 $0x1  }
0x6: {  	s15 =	simm.s32 $0x0;
	s6 =	sand.u32 $0x1, s2;
	s2 =	simm.s32 $0x0  }
0x7: {  	s7 =	sshll.u32 s1, $0xA;
	s8 =	sshll.u32 s6, $0x9;
	s6 =	ssub.s32 $0x2, s6  }
0x8: {  	[smem:$0x7FF] =	sst s2;
	s7 =	sor.u32 s8, s7;
	s9 =	sshrl.u32 s6, $0x1  }
0x9: {  	_ =	strace $0x80000047;
	s8 =	sshrl.u32 s7, $0x3;
	s9 =	ssub.s32 s6, s9  }
0xa: {  	s3 =	sadd.s32 s3, s7;
	s10 =	sadd.s32 s8, s5;
	s4 =	sadd.s32 s4, s8  }
0xb: {  	s7 =	smax.u32 s9, $0x1;
	s8 =	simm.s32 $0x1000;
	s9 =	simm.s32 $0x20000  }
0xc: {  	s5 =	sadd.s32 $0x1000, s10;
	s6 =	sadd.s32 $0x1800, s10;
	s10 =	simm.s32 $0x2  }
.LBB2_1:
0xd: {  	[tilespmem:s2], [sflag:$0x2] =	stream.strided.gather [hbm4b:s3+s8], $0x7000, s9, s8, $0x38;
	[tilespmem:$0x7600] =	vst v63  }
0xe: {  	_ =	swait.ge [sflag:s10], $0x7000  }
0xf: {  	[sflag:s10] =	ssyncset.done $0x0  }
0x10: {  	s16 =	simm.s32 $0x0;
	[sflag:s10] =	ssyncadd.s32 $0xFFFF9000  }
.LBB2_2:
0x11: {  	s17 =	sshll.u32 s16, $0x6;
	s18 =	sshll.u32 s16, $0x9  }
0x12: {  	s20 =	simm.s32 $0x0;
	s19 =	sand.u32 $0x40, s17;
	s18 =	sand.u32 $0xC00, s18  }
0x13: {  	s30 =	sand.u32 $0x7000, s20;
	s18 =	sor.u32 s19, s18  }
0x14: {  	s20 =	sand.u32 $0x380, s20;
	s19 =	sor.u32 s30, s18  }
0x15: {  	s19 =	sadd.s32 s20, s19  }
0x16: {  	v0 =	vld [tilespmem:s19+$0x30]  }
0x17: {  	v11 =	vimm.s32 $0x0;
	v9 =	vimm.s32 $0x0;
	v15 =	vld [tilespmem:s19+$0x0]  }
0x18: {  	v2 =	vimm.s32 $0x0;
	v4 =	vimm.s32 $0x0;
	v5 =	vimm.s32 $0x0;
	v16 =	vld [tilespmem:s19+$0x10]  }
0x19: {  	v3 =	vimm.s32 $0x0;
	v6 =	vimm.s32 $0x0;
	v7 =	vimm.s32 $0x0;
	v14 =	vld [tilespmem:s19+$0x20]  }
0x1a: {  	s31 =	simm.s32 $0x200;
	v8 =	vimm.s32 $0x0;
	v12 =	vimm.s32 $0x0;
	v13 =	vimm.s32 $0x0  }
0x1b: {  	v10 =	vimm.s32 $0x0;
	s21 =	sand.u32 $0x7000, s31;
	s20 =	simm.s32 $0x400;
	s19 =	simm.s32 $0x80;
	v1 =	vand.u32 $0x1, v0;
	v0 =	vshra.s32 v0, $0x1  }
.LBB2_3:
0x1c: {  	p0 =	sne.s32 s20, $0x6200;
	s22 =	sand.u32 $0x380, s19;
	s21 =	sor.u32 s21, s18;
	v17 =	vand.u32 $0x1, v15;
	v18 =	vshra.s32 v15, $0x1;
	v15 =	vand.u32 v0, v1  }
0x1d: {  	s21 =	sadd.s32 s22, s21;
	v19 =	vand.u32 $0x1, v16;
	v20 =	vshra.s32 v16, $0x1;
	v11 =	vadd.s32 v11, v15  }
0x1e: {  	v16 =	vand.u32 v18, v17;
	v21 =	vld [tilespmem:s21+$0x30];
	v22 =	vand.u32 $0x1, v14;
	v23 =	vshra.s32 v14, $0x1  }
.Ltmp0:
0x1f: {  	v9 =	vadd.s32 v9, v16;
	v14 =	vand.u32 v20, v19;
	v15 =	vld [tilespmem:s21+$0x0];
	v24 =	vand.u32 v23, v22;
	(pc) =	sbr.rel @p0 .LBB2_3-.Ltmp0, $4  }
0x20: {  	v2 =	vadd.s32 v2, v17;
	v4 =	vadd.s32 v4, v14;
	v16 =	vld [tilespmem:s21+$0x10];
	v5 =	vadd.s32 v5, v24  }
0x21: {  	v3 =	vadd.s32 v3, v18;
	v6 =	vadd.s32 v6, v19;
	v7 =	vadd.s32 v7, v20;
	v14 =	vld [tilespmem:s21+$0x20]  }
0x22: {  	v13 =	vadd.s32 v13, v1;
	v8 =	vadd.s32 v8, v22;
	v12 =	vadd.s32 v12, v23  }
0x23: {  	s19 =	sadd.s32 $0x80, s19;
	v10 =	vadd.s32 v10, v0;
	s21 =	sand.u32 $0x7000, s20;
	s20 =	sadd.s32 $0x200, s20;
	v1 =	vand.u32 $0x1, v21;
	v0 =	vshra.s32 v21, $0x1  }
0x24: {  	s19 =	sand.u32 $0x380, s19;
	s18 =	sor.u32 s21, s18  }
0x25: {  	v17 =	vand.u32 $0x1, v15;
	v30 =	vshra.s32 v15, $0x1;
	v18 =	vand.u32 v0, v1;
	s18 =	sadd.s32 s19, s18  }
0x26: {  	v36 =	vadd.s32 v13, v1;
	v39 =	vadd.s32 v10, v0;
	v19 =	vand.u32 $0x1, v16;
	v32 =	vld [tilespmem:s18+$0x30]  }
0x27: {  	v31 =	vshra.s32 v16, $0x1;
	v11 =	vadd.s32 v11, v18;
	v20 =	vand.u32 v30, v17;
	v22 =	vld [tilespmem:s18+$0x0]  }
0x28: {  	v2 =	vadd.s32 v2, v17;
	v3 =	vadd.s32 v3, v30;
	v21 =	vand.u32 $0x1, v14;
	v24 =	vld [tilespmem:s18+$0x10]  }
0x29: {  	v33 =	vshra.s32 v14, $0x1;
	v9 =	vadd.s32 v9, v20;
	v34 =	vand.u32 v31, v19;
	v35 =	vld [tilespmem:s18+$0x20]  }
0x2a: {  	v6 =	vadd.s32 v6, v19;
	v7 =	vadd.s32 v7, v31;
	v23 =	vand.u32 v33, v21  }
0x2b: {  	v4 =	vadd.s32 v4, v34;
	v8 =	vadd.s32 v8, v21;
	v12 =	vadd.s32 v12, v33  }
0x2c: {  	v5 =	vadd.s32 v5, v23;
	v37 =	vand.u32 $0x1, v32;
	v38 =	vshra.s32 v32, $0x1  }
0x2d: {  	v40 =	vand.u32 $0x1, v22;
	v41 =	vshra.s32 v22, $0x1;
	v42 =	vand.u32 $0x1, v24  }
0x2e: {  	v43 =	vshra.s32 v24, $0x1;
	v45 =	vand.u32 $0x1, v35;
	v44 =	vand.u32 v41, v40  }
0x2f: {  	v46 =	vshra.s32 v35, $0x1;
	v47 =	vand.u32 v43, v42;
	v9 =	vadd.s32 v9, v44  }
0x30: {  	v49 =	vand.u32 v46, v45;
	v4 =	vadd.s32 v4, v47;
	v48 =	vcvt.s32.f32 v9  }
0x31: {  	v57 =	vand.u32 v38, v37;
	v5 =	vadd.s32 v5, v49;
	v55 =	vcvt.s32.f32 v4  }
0x32: {  	v2 =	vadd.s32 v2, v40;
	v60 =	vadd.s32 v11, v57;
	v62 =	vcvt.s32.f32 v5;
	[tilespmem:s17+$0x7400] =	vst v48  }
0x33: {  	v3 =	vadd.s32 v3, v41;
	v2 =	vsub.s32 v2, v9;
	v63 =	vcvt.s32.f32 v60;
	[tilespmem:s17+$0x7410] =	vst v55  }
0x34: {  	v6 =	vadd.s32 v6, v42;
	v3 =	vsub.s32 v3, v9;
	v2 =	vcvt.s32.f32 v2;
	[tilespmem:s17+$0x7420] =	vst v62  }
0x35: {  	v7 =	vadd.s32 v7, v43;
	v6 =	vsub.s32 v6, v4;
	v3 =	vcvt.s32.f32 v3;
	[tilespmem:s17+$0x7430] =	vst v63  }
0x36: {  	v52 =	vadd.s32 v8, v45;
	v51 =	vsub.s32 v7, v4;
	v50 =	vcvt.s32.f32 v6;
	[tilespmem:s17+$0x7000] =	vst v2  }
0x37: {  	s16 =	sadd.s32 $0x1, s16;
	v54 =	vadd.s32 v12, v46;
	v56 =	vsub.s32 v52, v5;
	v53 =	vcvt.s32.f32 v51;
	[tilespmem:s17+$0x7200] =	vst v3  }
0x38: {  	p0 =	sne.s32 s16, $0x8;
	v1 =	vadd.s32 v36, v37;
	v59 =	vsub.s32 v54, v5;
	v58 =	vcvt.s32.f32 v56;
	[tilespmem:s17+$0x7010] =	vst v50  }
.Ltmp1:
0x39: {  	v0 =	vadd.s32 v39, v38;
	v1 =	vsub.s32 v1, v60;
	v61 =	vcvt.s32.f32 v59;
	[tilespmem:s17+$0x7210] =	vst v53;
	(pc) =	sbr.rel @p0 .LBB2_2-.Ltmp1, $4  }
0x3a: {  	v0 =	vsub.s32 v0, v60;
	v1 =	vcvt.s32.f32 v1;
	[tilespmem:s17+$0x7020] =	vst v58  }
0x3b: {  	v0 =	vcvt.s32.f32 v0;
	[tilespmem:s17+$0x7220] =	vst v61  }
0x3c: {  	[tilespmem:s17+$0x7030] =	vst v1  }
0x3d: {  	[tilespmem:s17+$0x7230] =	vst v0  }
0x3e: {  	[hbm4b:s4+s2] =	stream.linear.scatter [tilespmem:s11], [sflag:$0x1], $0x200, $0x38;
	[tilespmem:$0x7600] =	vst v63  }
0x3f: {  	_ = 	snop  }
0x40: {  	[hbm4b:s5+s2] =	stream.linear.scatter [tilespmem:s12], [sflag:$0x1], $0x200, $0x38;
	[tilespmem:$0x7600] =	vst v63  }
0x41: {  	_ = 	snop  }
0x42: {  	[hbm4b:s6+s2] =	stream.linear.scatter [tilespmem:s13], [sflag:$0x1], $0x200, $0x38;
	[tilespmem:$0x7600] =	vst v63  }
0x43: {  	_ =	swait.ge [sflag:s14], $0x200  }
0x44: {  	[sflag:s14] =	ssyncset.done $0x0  }
0x45: {  	s15 =	sadd.s32 $0x1, s15;
	[sflag:s14] =	ssyncadd.s32 $0xFFFFFE00  }
0x46: {  	p0 =	sne.s32 s15, s7;
	_ =	swait.ge [sflag:s14], $0x200  }
.Ltmp2:
0x47: {  	[sflag:s14] =	ssyncset.done $0x0;
	(pc) =	sbr.rel @p0 .LBB2_1-.Ltmp2, $4  }
0x48: {  	[sflag:s14] =	ssyncadd.s32 $0xFFFFFE00  }
0x49: {  	_ =	swait.ge [sflag:s14], $0x200  }
0x4a: {  	[sflag:s14] =	ssyncset.done $0x0  }
0x4b: {  	[sflag:s14] =	ssyncadd.s32 $0xFFFFFE00  }
0x4c: {  	_ =	sfence.sel $0x180000  }
0x4d: {  	[bflag:$0x0] =	sbarrier.arrive $0xFFFF  }
0x4e: {  	p0 =	sne.s32 s1, $0x0;
	_ =	strace $0x90000047  }
0x4f: {  	s0 =	sadd.s32 @!p0 $0x100000, s0;
	[bflag:$0x2] =	sbarrier.arrive $0xFFFF  }
0x50: {  	[sflag:s0] =	ssyncadd.tile.s32 @!p0 $0x1;
	_ =	shalt  }
.Lfunc_end2:
_tile_overlayer_lowered:
.L_overlay_start_2:
0x51: {  	(tag) =	ssettag $0x2  }
0x52: {  	s0 =	rddreg [dreg:$0x0];
	s2 =	stileid.u32  }
0x53: {  	s1 =	rddreg [dreg:$0x1];
	p0 =	sne.s32 s2, $0x0  }
0x54: {  	s3 =	rddreg [dreg:$0x2];
	[bflag:$0x3] =	sbarrier.arrive $0xFFFF;
	s2 =	simm.s32 @!p0 $0x1C02  }
0x55: {  	[timem:s3], [sflag:s2] =	dma.local @!p0 [hbm:s0], s1  }
0x56: {  	s0 =	simm.s32 @!p0 $0x2  }
0x57: {  	_ =	swait.ge @!p0 [sflag:s0], s1  }
0x58: {  	s1 =	ssub.s32 @!p0 $0x0, s1;
	[sflag:s0] =	ssyncset.done @!p0 $0x0  }
0x59: {  	[sflag:s0] =	ssyncadd.s32 @!p0 s1  }
0x5a: {  	[bflag:$0x3] =	sbarrier.arrive $0xFFFF  }
0x5b: {  	_ =	shalt  }

</sc_bundles>
